<compile_context>
chip_gen: v7x
topology: tpu7x:2x2x1
jax: 0.10.2.dev20260603
libtpu: 0.0.44.dev20260713+nightly
codegen_flags: <defaults>
</compile_context>

<pallas_src>
import functools

import jax
import jax.numpy as jnp
from jax import lax
from jax.experimental import pallas as pl
from jax.experimental.pallas import tpu as pltpu
from jax.experimental.pallas import tpu_sc as plsc

NC = 2
NS = 16
CH = 128


@functools.partial(jax.jit, static_argnums=(4, 5, 6))
def _run(feature, src, dst, zeros, N, D, EP):
    per_tile = EP // (NC * NS)
    n_chunks = per_tile // CH
    nup = -(-(N + 1) // (8 * NS)) * (8 * NS)
    zrows = nup // NS

    mesh = plsc.VectorSubcoreMesh(core_axis_name="c", subcore_axis_name="s")

    @functools.partial(
        pl.kernel,
        out_type=jax.ShapeDtypeStruct((NC, nup, D), jnp.float32),
        mesh=mesh,
        scratch_types=[
            pltpu.VMEM_SHARED((nup, D), jnp.float32),
            pltpu.VMEM((CH,), jnp.int32),
            pltpu.VMEM((CH,), jnp.int32),
            pltpu.VMEM((CH, D), jnp.float32),
            pltpu.SemaphoreType.DMA,
        ],
    )
    def k(feat_hbm, src_hbm, dst_hbm, zeros_hbm, part_hbm, acc, src_v, dst_v,
          rows_v, sem):
        c = lax.axis_index("c")
        s = lax.axis_index("s")
        pltpu.sync_copy(zeros_hbm, acc.at[pl.ds(s * zrows, zrows)])
        plsc.subcore_barrier()

        base = (s * NC + c) * per_tile

        def step(i, carry):
            off = base + i * CH
            pltpu.sync_copy(src_hbm.at[pl.ds(off, CH)], src_v)
            pltpu.sync_copy(dst_hbm.at[pl.ds(off, CH)], dst_v)
            pltpu.async_copy(feat_hbm.at[src_v], rows_v, sem).wait()
            pltpu.sync_copy(rows_v, acc.at[dst_v], add=True)
            return carry

        lax.fori_loop(0, n_chunks, step, 0)
        plsc.subcore_barrier()
        pltpu.sync_copy(acc.at[pl.ds(s * zrows, zrows)],
                        part_hbm.at[c].at[pl.ds(s * zrows, zrows)])

    part = k(feature, src, dst, zeros)

    rb = 1000

    def add_body(p_ref, o_ref):
        o_ref[...] = p_ref[0] + p_ref[1]

    return pl.pallas_call(
        add_body,
        grid=(N // rb,),
        in_specs=[pl.BlockSpec((NC, rb, D), lambda i: (0, i, 0))],
        out_specs=pl.BlockSpec((rb, D), lambda i: (i, 0)),
        out_shape=jax.ShapeDtypeStruct((N, D), jnp.float32),
    )(part)


def kernel(feature, edge_index):
    N, D = feature.shape
    E = edge_index.shape[1]
    nw = NC * NS
    per_tile = -(-(-(-E // nw)) // CH) * CH
    EP = per_tile * nw
    pad = EP - E
    src = jnp.concatenate(
        [edge_index[0].astype(jnp.int32), jnp.zeros((pad,), jnp.int32)])
    dst = jnp.concatenate(
        [edge_index[1].astype(jnp.int32), jnp.full((pad,), N, jnp.int32)])
    nup = -(-(N + 1) // (8 * NS)) * (8 * NS)
    zeros = jnp.zeros((nup // NS, D), jnp.float32)
    return _run(feature, src, dst, zeros, N, D, EP)

# --- scband reference (transcript-rebuilt; emitter-appended) ---
"""Pipeline reference for scband-gather-5789615915371 (READ-ONLY COPY).

The authoritative reference and input builder live on the scoring server;
editing this copy changes nothing except your own understanding.
"""

import jax, jax.numpy as jnp
import numpy as np

N_NODES = 10000
N_EDGES = 320000
D_FEAT = 128


def setup_inputs(seed: int = 0) -> dict:
    key = jax.random.key(seed)
    k_feat, k_edge = jax.random.split(key, 2)
    feature = jax.random.normal(k_feat, (N_NODES, D_FEAT), dtype=jnp.float32)
    edge_index = jax.random.randint(k_edge, (2, N_EDGES), 0, N_NODES, dtype=jnp.int64)
    return {"feature": feature, "edge_index": edge_index}


def reference(feature, edge_index):
    # DGL semantics: block.srcdata['x'] = feature;
    # update_all(copy_u('x','m'), sum('m','h')) -> dstdata['h']
    # i.e. for each edge (src, dst): gather feature[src], sum-reduce at dst.
    src = edge_index[0]
    dst = edge_index[1]
    msgs = jnp.take(feature, src, axis=0)          # gather: [E, d]
    h = jax.ops.segment_sum(msgs, dst, num_segments=feature.shape[0])  # scatter-add: [N, d]
    return h

if __name__ == "__main__":
    import jax
    _d = setup_inputs()
    print(jax.jit(kernel)(*tuple(_d.values())))

</pallas_src>

<mosaic_0001>
#map = affine_map<(d0, d1) -> (0, 0)>
#map1 = affine_map<(d0, d1) -> (0)>
#map2 = affine_map<(d0, d1) -> (0, 0, 0)>
module attributes {stable_mosaic.version = 14 : i64} {
  func.func @k(%arg0: i32, %arg1: i32, %arg2: memref<10000x128xf32, #tpu.memory_space<hbm>>, %arg3: memref<323584xi32, #tpu.memory_space<hbm>>, %arg4: memref<323584xi32, #tpu.memory_space<hbm>>, %arg5: memref<632x128xf32, #tpu.memory_space<hbm>>, %arg6: memref<2x10112x128xf32, #tpu.memory_space<hbm>>, %arg7: memref<10112x128xf32, #tpu.memory_space<vmem_shared>>, %arg8: memref<128xi32, #tpu.memory_space<vmem>>, %arg9: memref<128xi32, #tpu.memory_space<vmem>>, %arg10: memref<128x128xf32, #tpu.memory_space<vmem>>, %arg11: memref<!tpu.dma_semaphore, #tpu.memory_space<semaphore_mem>>) attributes {dimension_semantics = [#tpu.dimension_semantics<core_parallel>, #tpu.dimension_semantics<subcore_parallel>], iteration_bounds = array<i64: 2, 16>, scalar_prefetch = 0 : i64, scratch_operands = 5 : i64, tpu.core_type = #tpu.core_type<sc_vector_subcore>, window_params = [{transform_indices = #map}, {transform_indices = #map1}, {transform_indices = #map1}, {transform_indices = #map}, {transform_indices = #map2}]} {
    %mul3A = arith.constant 632 : i32
    %mul3A_0 = arith.muli %arg1, %mul3A : i32
    "tpu.region"() ({
      %run_scoped3A = tpu.sem_alloc : memref<!tpu.dma_semaphore, #tpu.memory_space<semaphore_mem>>
      %dma_start3A = arith.constant 0 : i32
      %dma_start3A_15 = tpu.memref_slice %arg7[%mul3A_0, %dma_start3A] : memref<10112x128xf32, #tpu.memory_space<vmem_shared>> -> memref<632x128xf32, #tpu.memory_space<vmem_shared>>
      tpu.enqueue_dma source(%arg5 : memref<632x128xf32, #tpu.memory_space<hbm>>) target(%dma_start3A_15 : memref<632x128xf32, #tpu.memory_space<vmem_shared>>) target_semaphore(%run_scoped3A : memref<!tpu.dma_semaphore, #tpu.memory_space<semaphore_mem>>)
      %dma_wait3A = arith.constant 0 : i32
      %dma_wait3A_16 = tpu.memref_slice %arg7[%mul3A_0, %dma_wait3A] : memref<10112x128xf32, #tpu.memory_space<vmem_shared>> -> memref<632x128xf32, #tpu.memory_space<vmem_shared>>
      tpu.wait_dma2 semaphore(%run_scoped3A : memref<!tpu.dma_semaphore, #tpu.memory_space<semaphore_mem>>) src(%arg5 : memref<632x128xf32, #tpu.memory_space<hbm>>) dst(%dma_wait3A_16 : memref<632x128xf32, #tpu.memory_space<vmem_shared>>)
      tpu.yield
    }) : () -> ()
    %barrier3A = arith.constant 0 : index
    tpu.barrier barrier_id(%barrier3A)
    %mul3A_1 = arith.constant 2 : i32
    %mul3A_2 = arith.muli %arg1, %mul3A_1 : i32
    %add3A = arith.addi %mul3A_2, %arg0 : i32
    %mul3A_3 = arith.constant 10112 : i32
    %mul3A_4 = arith.muli %add3A, %mul3A_3 : i32
    %scan3A = arith.constant 0 : i32
    %scan3A_5 = arith.constant 0 : i32
    %scan3A_6 = arith.constant 79 : i32
    %scan3A_7 = arith.addi %scan3A_5, %scan3A_6 : i32
    %scan3A_8 = arith.constant 1 : i32
    scf.for %scan3A_15 = %scan3A_5 to %scan3A_7 step %scan3A_8  : i32 {
      %mul3A_16 = arith.constant 128 : i32
      %mul3A_17 = arith.muli %scan3A_15, %mul3A_16 : i32
      %add3A_18 = arith.addi %mul3A_4, %mul3A_17 : i32
      "tpu.region"() ({
        %run_scoped3A = tpu.sem_alloc : memref<!tpu.dma_semaphore, #tpu.memory_space<semaphore_mem>>
        %dma_start3A_23 = tpu.memref_slice %arg3[%add3A_18] : memref<323584xi32, #tpu.memory_space<hbm>> -> memref<128xi32, #tpu.memory_space<hbm>>
        %dma_start3A_24 = tpu.memref_slice %arg3[%add3A_18] : memref<323584xi32, #tpu.memory_space<hbm>> -> memref<128xi32, #tpu.memory_space<hbm>>
        tpu.enqueue_dma source(%dma_start3A_24 : memref<128xi32, #tpu.memory_space<hbm>>) target(%arg8 : memref<128xi32, #tpu.memory_space<vmem>>) target_semaphore(%run_scoped3A : memref<!tpu.dma_semaphore, #tpu.memory_space<semaphore_mem>>)
        %dma_wait3A_25 = tpu.memref_slice %arg3[%add3A_18] : memref<323584xi32, #tpu.memory_space<hbm>> -> memref<128xi32, #tpu.memory_space<hbm>>
        %dma_wait3A_26 = tpu.memref_slice %arg3[%add3A_18] : memref<323584xi32, #tpu.memory_space<hbm>> -> memref<128xi32, #tpu.memory_space<hbm>>
        tpu.wait_dma2 semaphore(%run_scoped3A : memref<!tpu.dma_semaphore, #tpu.memory_space<semaphore_mem>>) src(%dma_wait3A_26 : memref<128xi32, #tpu.memory_space<hbm>>) dst(%arg8 : memref<128xi32, #tpu.memory_space<vmem>>)
        tpu.yield
      }) : () -> ()
      "tpu.region"() ({
        %run_scoped3A = tpu.sem_alloc : memref<!tpu.dma_semaphore, #tpu.memory_space<semaphore_mem>>
        %dma_start3A_23 = tpu.memref_slice %arg4[%add3A_18] : memref<323584xi32, #tpu.memory_space<hbm>> -> memref<128xi32, #tpu.memory_space<hbm>>
        %dma_start3A_24 = tpu.memref_slice %arg4[%add3A_18] : memref<323584xi32, #tpu.memory_space<hbm>> -> memref<128xi32, #tpu.memory_space<hbm>>
        tpu.enqueue_dma source(%dma_start3A_24 : memref<128xi32, #tpu.memory_space<hbm>>) target(%arg9 : memref<128xi32, #tpu.memory_space<vmem>>) target_semaphore(%run_scoped3A : memref<!tpu.dma_semaphore, #tpu.memory_space<semaphore_mem>>)
        %dma_wait3A_25 = tpu.memref_slice %arg4[%add3A_18] : memref<323584xi32, #tpu.memory_space<hbm>> -> memref<128xi32, #tpu.memory_space<hbm>>
        %dma_wait3A_26 = tpu.memref_slice %arg4[%add3A_18] : memref<323584xi32, #tpu.memory_space<hbm>> -> memref<128xi32, #tpu.memory_space<hbm>>
        tpu.wait_dma2 semaphore(%run_scoped3A : memref<!tpu.dma_semaphore, #tpu.memory_space<semaphore_mem>>) src(%dma_wait3A_26 : memref<128xi32, #tpu.memory_space<hbm>>) dst(%arg9 : memref<128xi32, #tpu.memory_space<vmem>>)
        tpu.yield
      }) : () -> ()
      %dma_start3A = arith.constant 0 : i32
      %dma_start3A_19 = arith.constant 0 : i32
      %dma_start3A_20 = tpu.memref_slice %arg2[%dma_start3A, %dma_start3A_19] : memref<10000x128xf32, #tpu.memory_space<hbm>> -> memref<10000x128xf32, #tpu.memory_space<hbm>>
      tpu.enqueue_indirect_dma source(%dma_start3A_20 : memref<10000x128xf32, #tpu.memory_space<hbm>>) target(%arg10 : memref<128x128xf32, #tpu.memory_space<vmem>>) offsets(%arg8 : memref<128xi32, #tpu.memory_space<vmem>>) semaphore(%arg11 : memref<!tpu.dma_semaphore, #tpu.memory_space<semaphore_mem>>)
      %dma_wait3A = arith.constant 0 : i32
      %dma_wait3A_21 = arith.constant 0 : i32
      %dma_wait3A_22 = tpu.memref_slice %arg2[%dma_wait3A, %dma_wait3A_21] : memref<10000x128xf32, #tpu.memory_space<hbm>> -> memref<10000x128xf32, #tpu.memory_space<hbm>>
      tpu.wait_indirect_dma semaphore(%arg11 : memref<!tpu.dma_semaphore, #tpu.memory_space<semaphore_mem>>) src(%dma_wait3A_22 : memref<10000x128xf32, #tpu.memory_space<hbm>>) dst(%arg10 : memref<128x128xf32, #tpu.memory_space<vmem>>)
      "tpu.region"() ({
        %run_scoped3A = tpu.sem_alloc : memref<!tpu.dma_semaphore, #tpu.memory_space<semaphore_mem>>
        %dma_start3A_23 = arith.constant 0 : i32
        %dma_start3A_24 = arith.constant 0 : i32
        %dma_start3A_25 = tpu.memref_slice %arg7[%dma_start3A_23, %dma_start3A_24] : memref<10112x128xf32, #tpu.memory_space<vmem_shared>> -> memref<10112x128xf32, #tpu.memory_space<vmem_shared>>
        tpu.enqueue_indirect_dma source(%arg10 : memref<128x128xf32, #tpu.memory_space<vmem>>) target(%dma_start3A_25 : memref<10112x128xf32, #tpu.memory_space<vmem_shared>>) offsets(%arg9 : memref<128xi32, #tpu.memory_space<vmem>>) semaphore(%run_scoped3A : memref<!tpu.dma_semaphore, #tpu.memory_space<semaphore_mem>>) {add = true}
        %dma_wait3A_26 = arith.constant 0 : i32
        %dma_wait3A_27 = arith.constant 0 : i32
        %dma_wait3A_28 = tpu.memref_slice %arg7[%dma_wait3A_26, %dma_wait3A_27] : memref<10112x128xf32, #tpu.memory_space<vmem_shared>> -> memref<10112x128xf32, #tpu.memory_space<vmem_shared>>
        tpu.wait_indirect_dma semaphore(%run_scoped3A : memref<!tpu.dma_semaphore, #tpu.memory_space<semaphore_mem>>) src(%arg10 : memref<128x128xf32, #tpu.memory_space<vmem>>) dst(%dma_wait3A_28 : memref<10112x128xf32, #tpu.memory_space<vmem_shared>>)
        tpu.yield
      }) : () -> ()
    }
    %scan3A_9 = arith.constant 79 : i32
    %barrier3A_10 = arith.constant 0 : index
    tpu.barrier barrier_id(%barrier3A_10)
    %mul3A_11 = arith.constant 632 : i32
    %mul3A_12 = arith.muli %arg1, %mul3A_11 : i32
    %mul3A_13 = arith.constant 632 : i32
    %mul3A_14 = arith.muli %arg1, %mul3A_13 : i32
    "tpu.region"() ({
      %run_scoped3A = tpu.sem_alloc : memref<!tpu.dma_semaphore, #tpu.memory_space<semaphore_mem>>
      %dma_start3A = arith.constant 0 : i32
      %dma_start3A_15 = arith.constant 0 : i32
      %dma_start3A_16 = tpu.memref_slice %arg6[%arg0, %dma_start3A, %dma_start3A_15] : memref<2x10112x128xf32, #tpu.memory_space<hbm>> -> memref<1x10112x128xf32, #tpu.memory_space<hbm>>
      %dma_start3A_17 = tpu.memref_squeeze %dma_start3A_16 : memref<1x10112x128xf32, #tpu.memory_space<hbm>> -> memref<10112x128xf32, #tpu.memory_space<hbm>>
      %dma_start3A_18 = arith.constant 0 : i32
      %dma_start3A_19 = tpu.memref_slice %dma_start3A_17[%mul3A_14, %dma_start3A_18] : memref<10112x128xf32, #tpu.memory_space<hbm>> -> memref<632x128xf32, #tpu.memory_space<hbm>>
      %dma_start3A_20 = arith.constant 0 : i32
      %dma_start3A_21 = tpu.memref_slice %arg7[%mul3A_12, %dma_start3A_20] : memref<10112x128xf32, #tpu.memory_space<vmem_shared>> -> memref<632x128xf32, #tpu.memory_space<vmem_shared>>
      tpu.enqueue_dma source(%dma_start3A_21 : memref<632x128xf32, #tpu.memory_space<vmem_shared>>) target(%dma_start3A_19 : memref<632x128xf32, #tpu.memory_space<hbm>>) target_semaphore(%run_scoped3A : memref<!tpu.dma_semaphore, #tpu.memory_space<semaphore_mem>>)
      %dma_wait3A = arith.constant 0 : i32
      %dma_wait3A_22 = arith.constant 0 : i32
      %dma_wait3A_23 = tpu.memref_slice %arg6[%arg0, %dma_wait3A, %dma_wait3A_22] : memref<2x10112x128xf32, #tpu.memory_space<hbm>> -> memref<1x10112x128xf32, #tpu.memory_space<hbm>>
      %dma_wait3A_24 = tpu.memref_squeeze %dma_wait3A_23 : memref<1x10112x128xf32, #tpu.memory_space<hbm>> -> memref<10112x128xf32, #tpu.memory_space<hbm>>
      %dma_wait3A_25 = arith.constant 0 : i32
      %dma_wait3A_26 = tpu.memref_slice %dma_wait3A_24[%mul3A_14, %dma_wait3A_25] : memref<10112x128xf32, #tpu.memory_space<hbm>> -> memref<632x128xf32, #tpu.memory_space<hbm>>
      %dma_wait3A_27 = arith.constant 0 : i32
      %dma_wait3A_28 = tpu.memref_slice %arg7[%mul3A_12, %dma_wait3A_27] : memref<10112x128xf32, #tpu.memory_space<vmem_shared>> -> memref<632x128xf32, #tpu.memory_space<vmem_shared>>
      tpu.wait_dma2 semaphore(%run_scoped3A : memref<!tpu.dma_semaphore, #tpu.memory_space<semaphore_mem>>) src(%dma_wait3A_28 : memref<632x128xf32, #tpu.memory_space<vmem_shared>>) dst(%dma_wait3A_26 : memref<632x128xf32, #tpu.memory_space<hbm>>)
      tpu.yield
    }) : () -> ()
    return
  }
}

module attributes {stable_mosaic.version = 14 : i64} {
  func.func @add_body(%arg0: i32, %arg1: memref<2x1000x128xf32, #tpu.memory_space<vmem>>, %arg2: memref<1000x128xf32, #tpu.memory_space<vmem>>) attributes {dimension_semantics = [#tpu.dimension_semantics<arbitrary>], iteration_bounds = array<i64: 10>, scalar_prefetch = 0 : i64, scratch_operands = 0 : i64, tpu.core_type = #tpu.core_type<tc>, window_params = [{transform_indices = @transform_0, window_bounds = array<i64: 2, 1000, 128>}, {transform_indices = @transform_1, window_bounds = array<i64: 1000, 128>}]} {
    %get3A = arith.constant 0 : index
    %get3A_0 = arith.constant 0 : index
    %get3A_1 = arith.constant 0 : index
    %get3A_2 = vector.load %arg1[%get3A, %get3A_0, %get3A_1] : memref<2x1000x128xf32, #tpu.memory_space<vmem>>, vector<1x1000x128xf32>
    %get3A_3 = vector.shape_cast %get3A_2 : vector<1x1000x128xf32> to vector<1000x128xf32>
    %get3A_4 = arith.constant 1 : index
    %get3A_5 = arith.constant 0 : index
    %get3A_6 = arith.constant 0 : index
    %get3A_7 = vector.load %arg1[%get3A_4, %get3A_5, %get3A_6] : memref<2x1000x128xf32, #tpu.memory_space<vmem>>, vector<1x1000x128xf32>
    %get3A_8 = vector.shape_cast %get3A_7 : vector<1x1000x128xf32> to vector<1000x128xf32>
    %add3A = arith.addf %get3A_3, %get3A_8 : vector<1000x128xf32>
    %swap3A = arith.constant 0 : index
    %swap3A_9 = arith.constant 0 : index
    %swap3A_10 = vector.load %arg2[%swap3A, %swap3A_9] : memref<1000x128xf32, #tpu.memory_space<vmem>>, vector<1000x128xf32>
    tpu.vector_store %arg2[%swap3A, %swap3A_9], %add3A {strides = array<i32>} : memref<1000x128xf32, #tpu.memory_space<vmem>>, vector<1000x128xf32>,
    return
  }
  func.func @transform_0(%arg0: i32) -> (i32, i32, i32) {
    %c0_i32 = arith.constant 0 : i32
    %c0_i32_0 = arith.constant 0 : i32
    %c0_i32_1 = arith.constant 0 : i32
    return %c0_i32, %arg0, %c0_i32_0 : i32, i32, i32
  }
  func.func @transform_1(%arg0: i32) -> (i32, i32) {
    %c0_i32 = arith.constant 0 : i32
    %c0_i32_0 = arith.constant 0 : i32
    return %arg0, %c0_i32 : i32, i32
  }
}

</mosaic_0001>

<sc_bundles>
// kernel: _run.4.cloned.1.call-start
scs
__scs_entry_jumppad:
0x0: {  	(pc) =	sbr.rel $0x88, $3  }
0x1: {  	(tag) =	ssettag $0x0;
	lr =	simm.s32 $0x1  }
0x2: {  	[smem:$0x3F9D] =	sst lr;
	_ =	strace $0xD0000000  }
0x3: {  	_ = 	snop  }
0x4: {  	_ = 	snop  }
0x5: {  	_ = 	snop  }
0x6: {  	_ = 	snop  }
0x7: {  	_ = 	snop  }
__scs_overlays_trampoline_lowered:
0x8: {  	[smem:$0x3FAC] =	sst s0  }
0x9: {  	[smem:$0x3FAD] =	sst s1  }
0xa: {  	[smem:$0x3FAE] =	sst s2  }
0xb: {  	[smem:$0x3FAF] =	sst s3  }
0xc: {  	[smem:$0x3FB0] =	sst s4  }
0xd: {  	[smem:$0x3FB1] =	sst s5  }
0xe: {  	[smem:$0x3FB2] =	sst s6  }
0xf: {  	[smem:$0x3FB3] =	sst s7  }
0x10: {  	[smem:$0x3FB4] =	sst s8  }
0x11: {  	[smem:$0x3FB5] =	sst s9;
	s0 =	simm.s32 @!p0 $0x0  }
0x12: {  	s1 =	sld [smem:$0x3F9B];
	s0 =	simm.s32 @p0 $0x1  }
0x13: {  	[smem:$0x3FB6] =	sst s0;
	s0 =	simm.s32 @!p1 $0x0  }
0x14: {  	s2 =	sld [smem:$0x3F9A];
	s0 =	simm.s32 @p1 $0x1  }
0x15: {  	[smem:$0x3FB7] =	sst s0;
	s0 =	simm.s32 @!p2 $0x0  }
0x16: {  	s3 =	sld [smem:$0x3FDB];
	s0 =	simm.s32 @p2 $0x1  }
0x17: {  	s4 =	simm.s32 $0x1BF5;
	[smem:$0x3FB9] =	sst s0  }
0x18: {  	s0 =	sld [smem:$0x3F9C];
	_ =	swait.ge [sflag:s4], $0x0  }
0x19: {  	s7 =	sld [smem:$0x3F9D]  }
0x1a: {  	s8 =	sadd.s32 $0xFFFFE003, lr  }
0x1b: {  	s9 =	sadd.s32 $0xFFFFFEF7, lr;
	s5 =	simm.s32 $0xFFFFFFFF;
	p2 =	slt.u32 s8, $0xFFFFF086  }
0x1c: {  	p1 =	slt.u32 s9, $0xF7A;
	s5 =	simm.s32 @!p2 $0x0  }
0x1d: {  	s5 =	simm.s32 @p1 $0x1;
	p0 =	seq.s32 s7, s2  }
0x1e: {  	s7 =	smul.u32 @!p0 $0xF7A, s2;
	p2 =	seq.s32 @!p0 s5, $0x0  }
0x1f: {  	s9 =	smul.u32 $0xF7A, s1;
	s8 =	simm.s32 @!p0 $0x1BF5;
	p2 =	por !p2, p0  }
0x20: {  	[sflag:s8] =	ssyncset.s32 @!p0 $0xFFFFF086;
	s6 =	sadd.s32 @!p0 s3, s7;
	s7 =	simm.s32 @!p0 $0x108  }
0x21: {  	s3 =	sadd.s32 s3, s9;
	s6 =	sadd.s32 @!p0 $0x88, s6;
	s7 =	simm.s32 @p2 $0x1082  }
0x22: {  	[simem:s7], [sflag:s8] =	dma.local @!p0 [hbm:s6], $0xF7A  }
0x23: {  	s9 =	sor.u32 $0xD0000000, s2;
	s6 =	simm.s32 $0x108;
	_ =	swait.ge @!p0 [sflag:s8], $0x0  }
0x24: {  	s3 =	sadd.s32 $0x88, s3;
	s6 =	simm.s32 @!p1 $0x1082;
	[sflag:s4] =	ssyncset.s32 $0xFFFFF086  }
0x25: {  	[simem:s6], [sflag:s4] =	dma.local [hbm:s3], $0xF7A  }
0x26: {  	[smem:$0x3F9D] =	sst s1;
	(tag) =	ssettag s2;
	_ =	strace s9  }
0x27: {  	s1 =	sld [smem:$0x3FAD]  }
0x28: {  	s2 =	sld [smem:$0x3FAE]  }
0x29: {  	s4 =	sld [smem:$0x3FB0]  }
0x2a: {  	p0 =	seq.s32 s5, $0x0;
	s5 =	sld [smem:$0x3FB1]  }
0x2b: {  	s6 =	sld [smem:$0x3FB2]  }
0x2c: {  	s7 =	sld [smem:$0x3FB3]  }
0x2d: {  	s3 =	simm.s32 $0x108;
	s8 =	sld [smem:$0x3FB4]  }
0x2e: {  	s3 =	simm.s32 @!p0 $0x1082;
	s9 =	sld [smem:$0x3FB5]  }
0x2f: {  	lr =	sadd.s32 s0, s3;
	s0 =	sld [smem:$0x3FAC]  }
0x30: {  	s3 =	sld [smem:$0x3FAF]  }
0x31: {  	[smem:$0x3FB8] =	sst s10  }
0x32: {  	s10 =	sld [smem:$0x3FB6];
	_ =	sdelay $0x3  }
0x33: {  	p0 =	seq.s32 s10, $0x1;
	s10 =	sld [smem:$0x3FB8];
	_ =	sdelay $0x3  }
0x34: {  	[smem:$0x3FB8] =	sst s10  }
0x35: {  	s10 =	sld [smem:$0x3FB7];
	_ =	sdelay $0x3  }
0x36: {  	p1 =	seq.s32 s10, $0x1;
	s10 =	sld [smem:$0x3FB8];
	_ =	sdelay $0x3  }
0x37: {  	[smem:$0x3FB8] =	sst s10  }
0x38: {  	s10 =	sld [smem:$0x3FB9]  }
0x39: {  	_ = 	snop;
	(pc) =	sbr.ind lr, $3  }
0x3a: {  	_ = 	snop  }
0x3b: {  	_ = 	snop  }
0x3c: {  	p2 =	seq.s32 s10, $0x1;
	s10 =	sld [smem:$0x3FB8]  }
0x3d: {  	_ =	shalt  }
0x3e: {  	_ =	shalt  }
0x3f: {  	_ =	shalt  }
0x40: {  	_ =	shalt  }
0x41: {  	_ =	shalt  }
0x42: {  	_ =	shalt  }
0x43: {  	_ =	shalt  }
0x44: {  	_ =	shalt  }
0x45: {  	_ =	shalt  }
0x46: {  	_ =	shalt  }
0x47: {  	_ =	shalt  }
0x48: {  	_ =	shalt  }
0x49: {  	_ =	shalt  }
0x4a: {  	_ =	shalt  }
0x4b: {  	_ =	shalt  }
0x4c: {  	_ =	shalt  }
0x4d: {  	_ =	shalt  }
0x4e: {  	_ =	shalt  }
0x4f: {  	_ =	shalt  }
0x50: {  	_ =	shalt  }
0x51: {  	_ =	shalt  }
0x52: {  	_ =	shalt  }
0x53: {  	_ =	shalt  }
0x54: {  	_ =	shalt  }
0x55: {  	_ =	shalt  }
0x56: {  	_ =	shalt  }
0x57: {  	_ =	shalt  }
0x58: {  	_ =	shalt  }
0x59: {  	_ =	shalt  }
0x5a: {  	_ =	shalt  }
0x5b: {  	_ =	shalt  }
0x5c: {  	_ =	shalt  }
0x5d: {  	_ =	shalt  }
0x5e: {  	_ =	shalt  }
0x5f: {  	_ =	shalt  }
0x60: {  	_ =	shalt  }
0x61: {  	_ =	shalt  }
0x62: {  	_ =	shalt  }
0x63: {  	_ =	shalt  }
0x64: {  	_ =	shalt  }
0x65: {  	_ =	shalt  }
0x66: {  	_ =	shalt  }
0x67: {  	_ =	shalt  }
0x68: {  	_ =	shalt  }
0x69: {  	_ =	shalt  }
0x6a: {  	_ =	shalt  }
0x6b: {  	_ =	shalt  }
0x6c: {  	_ =	shalt  }
0x6d: {  	_ =	shalt  }
0x6e: {  	_ =	shalt  }
0x6f: {  	_ =	shalt  }
0x70: {  	_ =	shalt  }
0x71: {  	_ =	shalt  }
0x72: {  	_ =	shalt  }
0x73: {  	_ =	shalt  }
0x74: {  	_ =	shalt  }
0x75: {  	_ =	shalt  }
0x76: {  	_ =	shalt  }
0x77: {  	_ =	shalt  }
0x78: {  	_ =	shalt  }
0x79: {  	_ =	shalt  }
0x7a: {  	_ =	shalt  }
0x7b: {  	_ =	shalt  }
0x7c: {  	_ =	shalt  }
0x7d: {  	_ =	shalt  }
0x7e: {  	_ =	shalt  }
0x7f: {  	_ =	shalt  }
0x80: {  	_ =	shalt  }
0x81: {  	_ =	shalt  }
0x82: {  	_ =	shalt  }
0x83: {  	_ =	shalt  }
0x84: {  	_ =	shalt  }
0x85: {  	_ =	shalt  }
0x86: {  	_ =	shalt  }
0x87: {  	_ =	shalt  }
.Lfunc_end0:
.L_simem_size_0:
called_computation_lowered:
.L_overlay_start_0:
0x88: {  	s2 =	sld [smem:$0x3FD9]  }
0x89: {  	s3 =	sld [smem:$0x3FFE];
	_ =	sdelay $0x1  }
0x8a: {  	s1 =	srdreg.scid  }
0x8b: {  	s0 =	sand.u32 $0x1, s1  }
0x8c: {  	s17 =	sshll.u32 s0, $0xA;
	s2 =	sadd.s32 s3, s2  }
0x8d: {  	s2 =	sadd.s32 s2, s17  }
0x8e: {  	[smem:$0x3FC4] =	sst s2  }
0x8f: {  	_ = 	snop  }
0x90: {  	s2 =	sld [smem:$0x3FC9]  }
0x91: {  	s18 =	sld [smem:$0x3FC8]  }
0x92: {  	s4 =	sld [smem:$0x3FC7]  }
0x93: {  	s5 =	sld [smem:$0x3FC6];
	(tm) =	ssettm $0x1  }
0x94: {  	s6 =	sld [smem:$0x3FFB];
	_ =	sdelay $0x3  }
0x95: {  	_ =	strace s6  }
0x96: {  	s6 =	sld [smem:$0x3FFC];
	_ =	sdelay $0x3  }
0x97: {  	_ =	strace s6  }
0x98: {  	s6 =	sld [smem:$0x3FFD];
	_ =	sdelay $0x3  }
0x99: {  	_ =	strace s6  }
0x9a: {  	_ =	strace $0x8FFFFFFF  }
0x9b: {  	s19 =	sld [smem:$0x3FDB];
	_ =	sdelay $0x1  }
0x9c: {  	s7 =	simm.s32 $_scs_section_size  }
0x9d: {  	s8 =	simm.s32 $_size__tile_overlayer_lowered;
	s9 =	simm.s32 $_tile_overlayer_lowered  }
0x9e: {  	s22 =	simm.s32 $0x1BFF;
	s21 =	sshll.u32 s9, $0x1;
	s6 =	sadd.s32 s7, s19  }
0x9f: {  	s10 =	simm.s32 $0x0;
	s20 =	sshll.u32 s8, $0x1;
	s8 =	sadd.s32 s21, s6  }
0xa0: {  	[timem:s10], [sflag:s22] =	dma.local [hbm:s8], s20  }
0xa1: {  	_ =	swait.ge [sflag:s22], s20  }
0xa2: {  	s7 =	ssub.s32 $0x0, s20;
	[sflag:s22] =	ssyncset.done $0x0  }
0xa3: {  	[sflag:s22] =	ssyncadd.s32 s7;
	_ =	sdelay $0x1  }
0xa4: {  	s23 =	simm.s32 $0x1B8B  }
0xa5: {  	_ =	swait.ge [sflag:s23], $0x1  }
0xa6: {  	[sflag:s23] =	ssyncset.done $0x0  }
0xa7: {  	s25 =	simm.s32 $0x1B8E;
	s24 =	sld [smem:$0x3FFE];
	[sflag:s23] =	ssyncadd.s32 $0xFFFFFFFF  }
0xa8: {  	s26 =	simm.s32 $execute0_lowered;
	[smem:$0x3FD2] =	sst s25  }
0xa9: {  	s8 =	sshll.u32 s26, $0x1;
	_ =	strace $0x80000046;
	[dreg:$0x1] =	wrdreg $0xFFFFFFFF  }
0xaa: {  	s28 =	simm.s32 $_size_execute0_lowered;
	s6 =	sadd.s32 s6, s8;
	[dreg:$0x0] =	wrdreg $0x0  }
0xab: {  	s8 =	sshll.u32 s28, $0x1;
	[dreg:$0x2] =	wrdreg s6  }
0xac: {  	[dreg:$0x3] =	wrdreg s8  }
0xad: {  	[dreg:$0x4] =	wrdreg $0xC0  }
0xae: {  	_ =	task [dreg:s10], $0x5FFFF  }
0xaf: {  	[dreg:$0x1] =	wrdreg $0xFFFFFFFF  }
0xb0: {  	[dreg:$0x0] =	wrdreg $0x60  }
0xb1: {  	[dreg:$0x2] =	wrdreg s2  }
0xb2: {  	[dreg:$0x3] =	wrdreg s18  }
0xb3: {  	[dreg:$0x4] =	wrdreg s4  }
0xb4: {  	[dreg:$0x5] =	wrdreg s5  }
0xb5: {  	[dreg:$0x6] =	wrdreg s24  }
0xb6: {  	[dreg:$0x7] =	wrdreg $0x0  }
0xb7: {  	[dreg:$0x8] =	wrdreg $0x9  }
0xb8: {  	_ =	task.clear_ibuf [dreg:s10], $0x9FFFF;
	_ =	strace $0x90000046  }
0xb9: {  	s29 =	simm.s32 $0x9;
	_ =	strace $0x80000048  }
0xba: {  	_ =	swait.ge [sflag:s29], $0x1  }
0xbb: {  	[sflag:s29] =	ssyncadd.s32 $0xFFFFFFFF  }
0xbc: {  	_ =	strace $0x90000048  }
0xbd: {  	_ =	sfence  }
0xbe: {  	s30 =	sld [smem:$0x0];
	_ =	sdelay $0x2  }
0xbf: {  	s31 =	sshll.u32 s1, $0xD;
	s1 =	sshrl.u32 s1, $0x2  }
0xc0: {  	s3 =	sand.u32 $0x4000, s31;
	s1 =	sadd.s32 s1, s30  }
0xc1: {  	s0 =	sor.u32 s3, s0;
	s1 =	sshll.u32 s1, $0x11  }
0xc2: {  	s0 =	sor.u32 s1, s0  }
0xc3: {  	s0 =	sadd.s32 $0x8F2B, s0  }
0xc4: {  	[sflag:s0] =	ssyncadd.remote.s32 $0x1  }
0xc5: {  	_ =	sfence.sel $0xFFFF  }
0xc6: {  	[dreg:$0x0] =	wrdreg $0xFFFFFFFF;
	(pc) =	sbr.abs _section_cstart, $3  }
0xc7: {  	[dreg:$0x1] =	wrdreg $0xFFFFFFFF  }
0xc8: {  	_ =	task.clear_ibuf [dreg:s10], $0x2FFFF;
	_ =	strace $0x9FFFFFFF  }
0xc9: {  	(tm) =	ssettm $0x7FFFFFFF  }
tec
execute0_lowered:
.L_overlay_start_1:
0x0: {  	(tag) =	ssettag $0x1  }
0x1: {  	s0 =	rddreg [dreg:$0x0]  }
0x2: {  	s7 =	rddreg [dreg:$0x1]  }
0x3: {  	s8 =	rddreg [dreg:$0x2]  }
0x4: {  	s2 =	rddreg [dreg:$0x3]  }
0x5: {  	s6 =	rddreg [dreg:$0x4]  }
0x6: {  	s3 =	rddreg [dreg:$0x5]  }
0x7: {  	s4 =	srdreg.scid;
	s1 =	rddreg [dreg:$0x6]  }
0x8: {  	s5 =	simm.s32 $0x0;
	s14 =	simm.s32 $0x80;
	s9 =	sand.u32 $0x1, s4  }
0x9: {  	s15 =	simm.s32 $0x13D00;
	s4 =	stileid.u32;
	s10 =	smul.u32 $0x27800, s9  }
0xa: {  	s16 =	simm.s32 $0x1;
	[smem:$0x7FF] =	sst s5;
	s12 =	smul.u32 $0x4F000, s4  }
0xb: {  	s11 =	ssub.s32 $0x2, s9;
	_ =	strace $0x80000047;
	s30 =	smul.u32 $0x9E0, s4  }
0xc: {  	s29 =	sshll.u32 s4, $0x6;
	s9 =	smul.u32 $0x4F0, s9;
	s13 =	sshrl.u32 s11, $0x1  }
0xd: {  	s18 =	smul.u32 $0x2780, s4;
	s10 =	sadd.s32 s10, s6;
	s11 =	ssub.s32 s11, s13  }
0xe: {  	s28 =	sshrl.u32 s12, $0x2;
	s6 =	sor.u32 $0x1C02, s29;
	s8 =	sadd.s32 s30, s8  }
0xf: {  	s31 =	sadd.s32 s30, s7;
	s13 =	simm.s32 $0x13C80;
	s12 =	sadd.s32 s28, s3  }
0x10: {  	s17 =	sadd.s32 $0x600, s10;
	s7 =	smax.u32 s11, $0x1;
	s8 =	sadd.s32 s9, s8  }
0x11: {  	s9 =	sadd.s32 s9, s31;
	s11 =	simm.s32 $0x2;
	s10 =	sshrl.u32 s12, $0x3  }
0x12: {  	s12 =	simm.s32 $0x13C00;
	s17 =	sadd.s32 s18, s17;
	s18 =	simm.s32 $0x0  }
.LBB2_1:
0x13: {  	[spmem:s10], [sflag:s6] =	dma.local [hbm:s2], $0x2780  }
0x14: {  	_ =	swait.ge [sflag:s11], $0x2780  }
0x15: {  	[sflag:s11] =	ssyncset.done $0x0  }
0x16: {  	[sflag:s11] =	ssyncadd.s32 $0xFFFFD880  }
0x17: {  	s19 =	sadd.s32 $0x0, s9;
	[bflag:$0x0] =	sbarrier.arrive $0xFFFF  }
0x18: {  	[tilespmem:s12], [sflag:$0x2] =	stream.linear.gather [hbm4b:s19+s5], $0x80, $0x38;
	[tilespmem:$0x17D00] =	vst v63  }
0x19: {  	_ =	swait.ge [sflag:s11], $0x80  }
0x1a: {  	[sflag:s11] =	ssyncset.done $0x0  }
0x1b: {  	s31 =	sadd.s32 $0x0, s8;
	[sflag:s11] =	ssyncadd.s32 $0xFFFFFF80  }
0x1c: {  	[tilespmem:s13], [sflag:$0x2] =	stream.linear.gather [hbm4b:s31+s5], $0x80, $0x38;
	[tilespmem:$0x17D00] =	vst v63  }
0x1d: {  	_ =	swait.ge [sflag:s11], $0x80  }
0x1e: {  	[sflag:s11] =	ssyncset.done $0x0  }
0x1f: {  	[sflag:s11] =	ssyncadd.s32 $0xFFFFFF80  }
0x20: {  	[tilespmem:s15], [sflag:$0x1] =	stream.indirect.gather [hbm4b:s0+s14], $0x80, s12, s14, $0xb8;
	[tilespmem:$0x17D00] =	vst v63  }
0x21: {  	_ =	swait.ge [sflag:s16], $0x4000  }
0x22: {  	[sflag:s16] =	ssyncset.done $0x0  }
0x23: {  	[sflag:s16] =	ssyncadd.s32 $0xFFFFC000  }
0x24: {  	[spmem:s3] =	stream.indirect.scatter.add.f32 [tilespmem:s15], [sflag:$0x2], $0x80, s13, s14, $0xb8;
	[tilespmem:$0x17D00] =	vst v63  }
0x25: {  	_ =	swait.ge [sflag:s11], $0x4000  }
0x26: {  	s20 =	simm.s32 $0x20;
	s19 =	simm.s32 $0x10;
	[sflag:s11] =	ssyncset.done $0x0  }
.LBB2_2:
0x27: {  	s21 =	sadd.s32 s19, s9  }
0x28: {  	[sflag:s11] =	ssyncadd.s32 $0xFFFFC000;
	s22 =	smov.u32 s20;
	s23 =	sadd.s32 $0x10, s20  }
0x29: {  	[tilespmem:s12], [sflag:$0x2] =	stream.linear.gather [hbm4b:s21+s5], $0x80, $0x38;
	[tilespmem:$0x17D00] =	vst v63  }
0x2a: {  	p0 =	sne.s32 s20, $0x4E0;
	_ =	swait.ge [sflag:s11], $0x80  }
0x2b: {  	[sflag:s11] =	ssyncset.done $0x0  }
0x2c: {  	s20 =	sadd.s32 s19, s8;
	s19 =	smov.u32 s22;
	[sflag:s11] =	ssyncadd.s32 $0xFFFFFF80  }
0x2d: {  	[tilespmem:s13], [sflag:$0x2] =	stream.linear.gather [hbm4b:s20+s5], $0x80, $0x38;
	[tilespmem:$0x17D00] =	vst v63  }
0x2e: {  	_ =	swait.ge [sflag:s11], $0x80  }
0x2f: {  	[sflag:s11] =	ssyncset.done $0x0  }
0x30: {  	[sflag:s11] =	ssyncadd.s32 $0xFFFFFF80  }
0x31: {  	[tilespmem:s15], [sflag:$0x1] =	stream.indirect.gather [hbm4b:s0+s14], $0x80, s12, s14, $0xb8;
	[tilespmem:$0x17D00] =	vst v63  }
0x32: {  	_ =	swait.ge [sflag:s16], $0x4000  }
.Ltmp0:
0x33: {  	[sflag:s16] =	ssyncset.done $0x0;
	(pc) =	sbr.rel @p0 .LBB2_2-.Ltmp0, $4  }
0x34: {  	[sflag:s16] =	ssyncadd.s32 $0xFFFFC000  }
0x35: {  	[spmem:s3] =	stream.indirect.scatter.add.f32 [tilespmem:s15], [sflag:$0x2], $0x80, s13, s14, $0xb8;
	[tilespmem:$0x17D00] =	vst v63  }
0x36: {  	_ =	swait.ge [sflag:s11], $0x4000  }
0x37: {  	s20 =	smov.u32 s23;
	[sflag:s11] =	ssyncset.done $0x0  }
0x38: {  	s20 =	sadd.s32 s19, s9;
	[sflag:s11] =	ssyncadd.s32 $0xFFFFC000  }
0x39: {  	[tilespmem:s12], [sflag:$0x2] =	stream.linear.gather [hbm4b:s20+s5], $0x80, $0x38;
	[tilespmem:$0x17D00] =	vst v63  }
0x3a: {  	_ =	swait.ge [sflag:s11], $0x80  }
0x3b: {  	[sflag:s11] =	ssyncset.done $0x0  }
0x3c: {  	s31 =	sadd.s32 s19, s8;
	[sflag:s11] =	ssyncadd.s32 $0xFFFFFF80  }
0x3d: {  	[tilespmem:s13], [sflag:$0x2] =	stream.linear.gather [hbm4b:s31+s5], $0x80, $0x38;
	[tilespmem:$0x17D00] =	vst v63  }
0x3e: {  	_ =	swait.ge [sflag:s11], $0x80  }
0x3f: {  	[sflag:s11] =	ssyncset.done $0x0  }
0x40: {  	[sflag:s11] =	ssyncadd.s32 $0xFFFFFF80  }
0x41: {  	[tilespmem:s15], [sflag:$0x1] =	stream.indirect.gather [hbm4b:s0+s14], $0x80, s12, s14, $0xb8;
	[tilespmem:$0x17D00] =	vst v63  }
0x42: {  	_ =	swait.ge [sflag:s16], $0x4000  }
0x43: {  	[sflag:s16] =	ssyncset.done $0x0  }
0x44: {  	[sflag:s16] =	ssyncadd.s32 $0xFFFFC000  }
0x45: {  	[spmem:s3] =	stream.indirect.scatter.add.f32 [tilespmem:s15], [sflag:$0x2], $0x80, s13, s14, $0xb8;
	[tilespmem:$0x17D00] =	vst v63  }
0x46: {  	_ =	swait.ge [sflag:s11], $0x4000  }
0x47: {  	s18 =	sadd.s32 $0x1, s18;
	[sflag:s11] =	ssyncset.done $0x0  }
0x48: {  	p0 =	sne.s32 s18, s7;
	[sflag:s11] =	ssyncadd.s32 $0xFFFFC000  }
.Ltmp1:
0x49: {  	[bflag:$0x0] =	sbarrier.arrive $0xFFFF;
	(pc) =	sbr.rel @p0 .LBB2_1-.Ltmp1, $4  }
0x4a: {  	[hbm:s17], [sflag:s6] =	dma.local [spmem:s10], $0x2780  }
0x4b: {  	_ =	swait.ge [sflag:s11], $0x2780  }
0x4c: {  	[sflag:s11] =	ssyncset.done $0x0  }
0x4d: {  	[sflag:s11] =	ssyncadd.s32 $0xFFFFD880  }
0x4e: {  	_ =	sfence.sel $0x180000  }
0x4f: {  	[bflag:$0x0] =	sbarrier.arrive $0xFFFF  }
0x50: {  	p0 =	sne.s32 s4, $0x0;
	_ =	strace $0x90000047  }
0x51: {  	s0 =	sadd.s32 @!p0 $0x100000, s1;
	[bflag:$0x2] =	sbarrier.arrive $0xFFFF  }
0x52: {  	[sflag:s0] =	ssyncadd.tile.s32 @!p0 $0x1;
	_ =	shalt  }
.Lfunc_end2:
_tile_overlayer_lowered:
.L_overlay_start_2:
0x53: {  	(tag) =	ssettag $0x2  }
0x54: {  	s0 =	rddreg [dreg:$0x0];
	s2 =	stileid.u32  }
0x55: {  	s1 =	rddreg [dreg:$0x1];
	p0 =	sne.s32 s2, $0x0  }
0x56: {  	s3 =	rddreg [dreg:$0x2];
	[bflag:$0x3] =	sbarrier.arrive $0xFFFF;
	s2 =	simm.s32 @!p0 $0x1C02  }
0x57: {  	[timem:s3], [sflag:s2] =	dma.local @!p0 [hbm:s0], s1  }
0x58: {  	s0 =	simm.s32 @!p0 $0x2  }
0x59: {  	_ =	swait.ge @!p0 [sflag:s0], s1  }
0x5a: {  	s1 =	ssub.s32 @!p0 $0x0, s1;
	[sflag:s0] =	ssyncset.done @!p0 $0x0  }
0x5b: {  	[sflag:s0] =	ssyncadd.s32 @!p0 s1  }
0x5c: {  	[bflag:$0x3] =	sbarrier.arrive $0xFFFF  }
0x5d: {  	_ =	shalt  }

</sc_bundles>
